<compile_context>
chip_gen: v7x
topology: tpu7x:2x2x1
jax: 0.10.2.dev20260603
libtpu: 0.0.44.dev20260713+nightly
codegen_flags: <defaults>
</compile_context>

<pallas_src>
import functools

import numpy as np

import jax
import jax.numpy as jnp
from jax import lax
from jax.experimental import pallas as pl
from jax.experimental.pallas import tpu as pltpu
from jax.experimental.pallas import tpu_sc as plsc

_PATCH = 8
_MASK_RATIO = 0.75


def _np_threefry2x32(k1, k2, x0, x1):
    rot_a = (13, 15, 26, 6)
    rot_b = (17, 29, 16, 24)
    ks = (k1, k2, k1 ^ k2 ^ np.uint32(0x1BD11BDA))
    x0 = x0 + ks[0]
    x1 = x1 + ks[1]

    def rounds(x0, x1, rots):
        for r in rots:
            x0 = x0 + x1
            x1 = (x1 << np.uint32(r)) | (x1 >> np.uint32(32 - r))
            x1 = x0 ^ x1
        return x0, x1

    for i, (ka, kb) in enumerate(((1, 2), (2, 0), (0, 1), (1, 2), (2, 0))):
        x0, x1 = rounds(x0, x1, rot_a if i % 2 == 0 else rot_b)
        x0 = x0 + ks[ka]
        x1 = x1 + ks[kb] + np.uint32(i + 1)
    return x0, x1


def _np_random_bits(key, n):
    c1 = np.zeros(n, np.uint32)
    c2 = np.arange(n, dtype=np.uint32)
    b1, b2 = _np_threefry2x32(key[0], key[1], c1, c2)
    return b1 ^ b2


def _np_split(key, num):
    c1 = np.zeros(num, np.uint32)
    c2 = np.arange(num, dtype=np.uint32)
    b1, b2 = _np_threefry2x32(key[0], key[1], c1, c2)
    return np.stack([b1, b2], axis=1)


def _np_permutation(key, n):
    exponent = 3
    num_rounds = int(
        np.ceil(exponent * np.log(max(1, n)) / np.log(np.iinfo(np.uint32).max))
    )
    x = np.arange(n, dtype=np.int32)
    for _ in range(num_rounds):
        key, subkey = _np_split(key, 2)
        sort_keys = _np_random_bits(subkey, n)
        x = x[np.argsort(sort_keys, kind="stable")]
    return x


@functools.lru_cache(maxsize=None)
def _mask_indices(B, N, num_mask):
    seed_key = np.array([0, 1], dtype=np.uint32)
    keys = _np_split(seed_key, B)
    idx = np.stack([_np_permutation(keys[b], N)[:num_mask] for b in range(B)])
    return np.ascontiguousarray(idx, dtype=np.int32)


def _build_mask_sc(idx, B, N, num_mask):
    info = plsc.get_sparse_core_info()
    NC, NS, L = info.num_cores, info.num_subcores, info.num_lanes
    NW = NC * NS
    n_rounds = -(-B // NW)
    mesh = plsc.VectorSubcoreMesh(core_axis_name="c", subcore_axis_name="s")

    @functools.partial(
        pl.kernel,
        mesh=mesh,
        out_type=jax.ShapeDtypeStruct((B, N), jnp.float32),
        compiler_params=pltpu.CompilerParams(
            use_tc_tiling_on_sc=False, needs_layout_passes=False
        ),
        scratch_types=[
            pltpu.VMEM((num_mask,), jnp.int32),
            pltpu.VMEM((N,), jnp.float32),
        ],
    )
    def build(idx_hbm, mask_hbm, idx_v, mask_v):
        wid = lax.axis_index("s") * NC + lax.axis_index("c")
        for t in range(n_rounds):
            b = wid + t * NW

            @pl.when(b < B)
            def _():
                pltpu.sync_copy(idx_hbm.at[b], idx_v)
                ones = jnp.ones((L,), jnp.float32)

                def init_body(i, carry):
                    mask_v[pl.ds(i * L, L)] = ones
                    return carry

                lax.fori_loop(0, N // L, init_body, 0)
                zeros = jnp.zeros((L,), jnp.float32)

                def scat_body(i, carry):
                    iv = idx_v[pl.ds(i * L, L)]
                    plsc.store_scatter(mask_v, [iv], zeros)
                    return carry

                lax.fori_loop(0, num_mask // L, scat_body, 0)
                pltpu.sync_copy(mask_v, mask_hbm.at[b])

    return build(idx)


def _apply_mask_tc(imgp, mask3, B, C, H, W, nph, npw, ph, pw, rows):
    pb = rows // ph

    def body(mask_ref, img_ref, out_ref):
        m = mask_ref[0]
        wi = lax.broadcasted_iota(jnp.int32, (npw, W), 1) // pw
        ci = lax.broadcasted_iota(jnp.int32, (npw, W), 0)
        expand = (wi == ci).astype(jnp.float32)
        t1 = jnp.dot(m, expand, preferred_element_type=jnp.float32)
        full = jnp.broadcast_to(t1[:, None, :], (pb, ph, W)).reshape(rows, W)
        out_ref[0] = img_ref[0] * full[None, :, :]

    return pl.pallas_call(
        body,
        grid=(B, H // rows),
        in_specs=[
            pl.BlockSpec((1, pb, npw), lambda b, r: (b, r, 0)),
            pl.BlockSpec((1, C, rows, W), lambda b, r: (b, 0, r, 0)),
        ],
        out_specs=pl.BlockSpec((1, C, rows, W), lambda b, r: (b, 0, r, 0)),
        out_shape=jax.ShapeDtypeStruct((B, C, H, W), jnp.float32),
    )(mask3, imgp)


def kernel(images):
    B, H, W, C = images.shape
    ph = pw = _PATCH
    nph, npw = H // ph, W // pw
    N = nph * npw
    num_mask = int(N * _MASK_RATIO)

    idx = jnp.asarray(_mask_indices(B, N, num_mask))
    mask = _build_mask_sc(idx, B, N, num_mask)
    mask3 = mask.reshape(B, nph, npw)
    imgp = jnp.transpose(images, (0, 3, 1, 2))
    outp = _apply_mask_tc(imgp, mask3, B, C, H, W, nph, npw, ph, pw, rows=256)
    return jnp.transpose(outp, (0, 2, 3, 1))

# --- scband reference (transcript-rebuilt; emitter-appended) ---
"""Pipeline reference for scband-random-masking-67113158967612 (READ-ONLY COPY).

The authoritative reference and input builder live on the scoring server;
editing this copy changes nothing except your own understanding.
"""

import jax, jax.numpy as jnp
import numpy as np

PATCH = 8
MASK_RATIO = 0.75


def setup_inputs(seed: int = 0) -> dict:
    key = jax.random.key(seed)
    images = jax.random.normal(key, (32, 512, 512, 3), dtype=jnp.float32)
    return {"images": images}


def reference(images):
    B, H, W, C = images.shape
    ph = pw = PATCH
    nph = H // ph
    npw = W // pw
    N = nph * npw
    num_mask = int(N * MASK_RATIO)

    keys = jax.random.split(jax.random.key(1), B)

    def mask_single(img, k):
        # random shuffle of patch indices; first num_mask patches are masked
        shuffled = jax.random.permutation(k, N)[:num_mask]
        mask_flat = jnp.ones((N,), dtype=jnp.float32).at[shuffled].set(0.0)
        mask = mask_flat.reshape(nph, npw)
        # nearest-neighbor upsample to (H, W)
        mask = jnp.repeat(jnp.repeat(mask, ph, axis=0), pw, axis=1)
        return img * mask[:, :, None]

    return jax.vmap(mask_single)(images, keys)

if __name__ == "__main__":
    import jax
    _d = setup_inputs()
    print(jax.jit(kernel)(*tuple(_d.values())))

</pallas_src>

<mosaic_0001>
#map = affine_map<(d0, d1) -> (0, 0)>
module attributes {stable_mosaic.version = 14 : i64} {
  func.func @build(%arg0: i32, %arg1: i32, %arg2: memref<32x3072xi32, #tpu.memory_space<hbm>>, %arg3: memref<32x4096xf32, #tpu.memory_space<hbm>>, %arg4: memref<3072xi32, #tpu.memory_space<vmem>>, %arg5: memref<4096xf32, #tpu.memory_space<vmem>>) attributes {dimension_semantics = [#tpu.dimension_semantics<core_parallel>, #tpu.dimension_semantics<subcore_parallel>], iteration_bounds = array<i64: 2, 16>, scalar_prefetch = 0 : i64, scratch_operands = 2 : i64, tpu.core_type = #tpu.core_type<sc_vector_subcore>, window_params = [{transform_indices = #map}, {transform_indices = #map}]} {
    %mul3A = arith.constant 2 : i32
    %mul3A_0 = arith.muli %arg1, %mul3A : i32
    %add3A = arith.addi %mul3A_0, %arg0 : i32
    %add3A_1 = arith.constant 0 : i32
    %add3A_2 = arith.addi %add3A, %add3A_1 : i32
    %lt3A = arith.constant 32 : i32
    %lt3A_3 = arith.cmpi slt, %add3A_2, %lt3A : i32
    %convert_element_type3A = arith.extui %lt3A_3 : i1 to i32
    %cond3A = arith.constant 0 : i32
    %cond3A_4 = arith.cmpi ne, %convert_element_type3A, %cond3A : i32
    scf.if %cond3A_4 {
      "tpu.region"() ({
        %run_scoped3A = tpu.sem_alloc : memref<!tpu.dma_semaphore, #tpu.memory_space<semaphore_mem>>
        %dma_start3A = arith.constant 0 : i32
        %dma_start3A_19 = tpu.memref_slice %arg2[%add3A_2, %dma_start3A] : memref<32x3072xi32, #tpu.memory_space<hbm>> -> memref<1x3072xi32, #tpu.memory_space<hbm>>
        %dma_start3A_20 = tpu.memref_squeeze %dma_start3A_19 : memref<1x3072xi32, #tpu.memory_space<hbm>> -> memref<3072xi32, #tpu.memory_space<hbm>>
        %dma_start3A_21 = arith.constant 0 : i32
        %dma_start3A_22 = tpu.memref_slice %arg2[%add3A_2, %dma_start3A_21] : memref<32x3072xi32, #tpu.memory_space<hbm>> -> memref<1x3072xi32, #tpu.memory_space<hbm>>
        %dma_start3A_23 = tpu.memref_squeeze %dma_start3A_22 : memref<1x3072xi32, #tpu.memory_space<hbm>> -> memref<3072xi32, #tpu.memory_space<hbm>>
        tpu.enqueue_dma source(%dma_start3A_23 : memref<3072xi32, #tpu.memory_space<hbm>>) target(%arg4 : memref<3072xi32, #tpu.memory_space<vmem>>) target_semaphore(%run_scoped3A : memref<!tpu.dma_semaphore, #tpu.memory_space<semaphore_mem>>)
        %dma_wait3A = arith.constant 0 : i32
        %dma_wait3A_24 = tpu.memref_slice %arg2[%add3A_2, %dma_wait3A] : memref<32x3072xi32, #tpu.memory_space<hbm>> -> memref<1x3072xi32, #tpu.memory_space<hbm>>
        %dma_wait3A_25 = tpu.memref_squeeze %dma_wait3A_24 : memref<1x3072xi32, #tpu.memory_space<hbm>> -> memref<3072xi32, #tpu.memory_space<hbm>>
        %dma_wait3A_26 = arith.constant 0 : i32
        %dma_wait3A_27 = tpu.memref_slice %arg2[%add3A_2, %dma_wait3A_26] : memref<32x3072xi32, #tpu.memory_space<hbm>> -> memref<1x3072xi32, #tpu.memory_space<hbm>>
        %dma_wait3A_28 = tpu.memref_squeeze %dma_wait3A_27 : memref<1x3072xi32, #tpu.memory_space<hbm>> -> memref<3072xi32, #tpu.memory_space<hbm>>
        tpu.wait_dma2 semaphore(%run_scoped3A : memref<!tpu.dma_semaphore, #tpu.memory_space<semaphore_mem>>) src(%dma_wait3A_28 : memref<3072xi32, #tpu.memory_space<hbm>>) dst(%arg4 : memref<3072xi32, #tpu.memory_space<vmem>>)
        tpu.yield
      }) : () -> ()
      %broadcast_in_dim3A = arith.constant 1.000000e+00 : f32
      %broadcast_in_dim3A_5 = vector.broadcast %broadcast_in_dim3A : f32 to vector<16xf32>
      %scan3A = arith.constant 0 : i32
      %scan3A_6 = arith.constant 0 : i32
      %scan3A_7 = arith.constant 256 : i32
      %scan3A_8 = arith.addi %scan3A_6, %scan3A_7 : i32
      %scan3A_9 = arith.constant 1 : i32
      scf.for %scan3A_19 = %scan3A_6 to %scan3A_8 step %scan3A_9  : i32 {
        %mul3A_20 = arith.constant 16 : i32
        %mul3A_21 = arith.muli %scan3A_19, %mul3A_20 : i32
        %swap3A = arith.index_cast %mul3A_21 : i32 to index
        %swap3A_22 = tpu.vector_load %arg5[%swap3A] {strides = array<i32>} : memref<4096xf32, #tpu.memory_space<vmem>>, vector<16xf32>,
        tpu.vector_store %arg5[%swap3A], %broadcast_in_dim3A_5 {strides = array<i32>} : memref<4096xf32, #tpu.memory_space<vmem>>, vector<16xf32>,
      }
      %scan3A_10 = arith.constant 256 : i32
      %broadcast_in_dim3A_11 = arith.constant 0.000000e+00 : f32
      %broadcast_in_dim3A_12 = vector.broadcast %broadcast_in_dim3A_11 : f32 to vector<16xf32>
      %scan3A_13 = arith.constant 0 : i32
      %scan3A_14 = arith.constant 0 : i32
      %scan3A_15 = arith.constant 192 : i32
      %scan3A_16 = arith.addi %scan3A_14, %scan3A_15 : i32
      %scan3A_17 = arith.constant 1 : i32
      scf.for %scan3A_19 = %scan3A_14 to %scan3A_16 step %scan3A_17  : i32 {
        %mul3A_20 = arith.constant 16 : i32
        %mul3A_21 = arith.muli %scan3A_19, %mul3A_20 : i32
        %get3A = arith.index_cast %mul3A_21 : i32 to index
        %get3A_22 = tpu.vector_load %arg4[%get3A] {strides = array<i32>} : memref<3072xi32, #tpu.memory_space<vmem>>, vector<16xi32>,
        tpu.vector_store_idx %arg5[%get3A_22], %broadcast_in_dim3A_12 : memref<4096xf32, #tpu.memory_space<vmem>>[vector<16xi32>], vector<16xf32>,
      }
      %scan3A_18 = arith.constant 192 : i32
      "tpu.region"() ({
        %run_scoped3A = tpu.sem_alloc : memref<!tpu.dma_semaphore, #tpu.memory_space<semaphore_mem>>
        %dma_start3A = arith.constant 0 : i32
        %dma_start3A_19 = tpu.memref_slice %arg3[%add3A_2, %dma_start3A] : memref<32x4096xf32, #tpu.memory_space<hbm>> -> memref<1x4096xf32, #tpu.memory_space<hbm>>
        %dma_start3A_20 = tpu.memref_squeeze %dma_start3A_19 : memref<1x4096xf32, #tpu.memory_space<hbm>> -> memref<4096xf32, #tpu.memory_space<hbm>>
        %dma_start3A_21 = arith.constant 0 : i32
        %dma_start3A_22 = tpu.memref_slice %arg3[%add3A_2, %dma_start3A_21] : memref<32x4096xf32, #tpu.memory_space<hbm>> -> memref<1x4096xf32, #tpu.memory_space<hbm>>
        %dma_start3A_23 = tpu.memref_squeeze %dma_start3A_22 : memref<1x4096xf32, #tpu.memory_space<hbm>> -> memref<4096xf32, #tpu.memory_space<hbm>>
        tpu.enqueue_dma source(%arg5 : memref<4096xf32, #tpu.memory_space<vmem>>) target(%dma_start3A_23 : memref<4096xf32, #tpu.memory_space<hbm>>) target_semaphore(%run_scoped3A : memref<!tpu.dma_semaphore, #tpu.memory_space<semaphore_mem>>)
        %dma_wait3A = arith.constant 0 : i32
        %dma_wait3A_24 = tpu.memref_slice %arg3[%add3A_2, %dma_wait3A] : memref<32x4096xf32, #tpu.memory_space<hbm>> -> memref<1x4096xf32, #tpu.memory_space<hbm>>
        %dma_wait3A_25 = tpu.memref_squeeze %dma_wait3A_24 : memref<1x4096xf32, #tpu.memory_space<hbm>> -> memref<4096xf32, #tpu.memory_space<hbm>>
        %dma_wait3A_26 = arith.constant 0 : i32
        %dma_wait3A_27 = tpu.memref_slice %arg3[%add3A_2, %dma_wait3A_26] : memref<32x4096xf32, #tpu.memory_space<hbm>> -> memref<1x4096xf32, #tpu.memory_space<hbm>>
        %dma_wait3A_28 = tpu.memref_squeeze %dma_wait3A_27 : memref<1x4096xf32, #tpu.memory_space<hbm>> -> memref<4096xf32, #tpu.memory_space<hbm>>
        tpu.wait_dma2 semaphore(%run_scoped3A : memref<!tpu.dma_semaphore, #tpu.memory_space<semaphore_mem>>) src(%arg5 : memref<4096xf32, #tpu.memory_space<vmem>>) dst(%dma_wait3A_28 : memref<4096xf32, #tpu.memory_space<hbm>>)
        tpu.yield
      }) : () -> ()
    } else {
    }
    return
  }
}

module attributes {stable_mosaic.version = 14 : i64} {
  func.func @body(%arg0: i32, %arg1: i32, %arg2: memref<1x32x64xf32, #tpu.memory_space<vmem>>, %arg3: memref<1x3x256x512xf32, #tpu.memory_space<vmem>>, %arg4: memref<1x3x256x512xf32, #tpu.memory_space<vmem>>) attributes {dimension_semantics = [#tpu.dimension_semantics<arbitrary>, #tpu.dimension_semantics<arbitrary>], iteration_bounds = array<i64: 32, 2>, scalar_prefetch = 0 : i64, scratch_operands = 0 : i64, tpu.core_type = #tpu.core_type<tc>, window_params = [{transform_indices = @transform_0, window_bounds = array<i64: 1, 32, 64>}, {transform_indices = @transform_1, window_bounds = array<i64: 1, 3, 256, 512>}, {transform_indices = @transform_2, window_bounds = array<i64: 1, 3, 256, 512>}]} {
    %get3A = arith.constant 0 : index
    %get3A_0 = arith.constant 0 : index
    %get3A_1 = arith.constant 0 : index
    %get3A_2 = vector.load %arg2[%get3A, %get3A_0, %get3A_1] : memref<1x32x64xf32, #tpu.memory_space<vmem>>, vector<1x32x64xf32>
    %get3A_3 = vector.shape_cast %get3A_2 : vector<1x32x64xf32> to vector<32x64xf32>
    %iota3A = tpu.iota {dimensions = array<i32: 1>} : vector<64x512xi32>
    %jit3A = arith.constant 8 : i32
    %div3A = vector.broadcast %jit3A : i32 to vector<64x512xi32>
    %div3A_4 = arith.divsi %iota3A, %div3A : vector<64x512xi32>
    %sign3A = arith.constant 0 : i32
    %sign3A_5 = vector.broadcast %sign3A : i32 to vector<64x512xi32>
    %sign3A_6 = arith.cmpi sgt, %iota3A, %sign3A_5 : vector<64x512xi32>
    %sign3A_7 = arith.extui %sign3A_6 : vector<64x512xi1> to vector<64x512xi32>
    %sign3A_8 = arith.constant 0 : i32
    %sign3A_9 = vector.broadcast %sign3A_8 : i32 to vector<64x512xi32>
    %sign3A_10 = arith.cmpi slt, %iota3A, %sign3A_9 : vector<64x512xi32>
    %sign3A_11 = arith.extui %sign3A_10 : vector<64x512xi1> to vector<64x512xi32>
    %sign3A_12 = arith.subi %sign3A_7, %sign3A_11 : vector<64x512xi32>
    %sign3A_13 = arith.constant 0 : i32
    %sign3A_14 = arith.cmpi sgt, %jit3A, %sign3A_13 : i32
    %sign3A_15 = arith.extui %sign3A_14 : i1 to i32
    %sign3A_16 = arith.constant 0 : i32
    %sign3A_17 = arith.cmpi slt, %jit3A, %sign3A_16 : i32
    %sign3A_18 = arith.extui %sign3A_17 : i1 to i32
    %sign3A_19 = arith.subi %sign3A_15, %sign3A_18 : i32
    %ne3A = vector.broadcast %sign3A_19 : i32 to vector<64x512xi32>
    %ne3A_20 = arith.cmpi ne, %sign3A_12, %ne3A : vector<64x512xi32>
    %rem3A = vector.broadcast %jit3A : i32 to vector<64x512xi32>
    %rem3A_21 = arith.remsi %iota3A, %rem3A : vector<64x512xi32>
    %ne3A_22 = arith.constant 0 : i32
    %ne3A_23 = vector.broadcast %ne3A_22 : i32 to vector<64x512xi32>
    %ne3A_24 = arith.cmpi ne, %rem3A_21, %ne3A_23 : vector<64x512xi32>
    %and3A = arith.andi %ne3A_20, %ne3A_24 : vector<64x512xi1>
    %sub3A = arith.constant 1 : i32
    %sub3A_25 = vector.broadcast %sub3A : i32 to vector<64x512xi32>
    %sub3A_26 = arith.subi %div3A_4, %sub3A_25 : vector<64x512xi32>
    %select_n3A = arith.select %and3A, %sub3A_26, %div3A_4 : vector<64x512xi1>, vector<64x512xi32>
    %iota3A_27 = tpu.iota {dimensions = array<i32: 0>} : vector<64x512xi32>
    %eq3A = arith.cmpi eq, %select_n3A, %iota3A_27 : vector<64x512xi32>
    %convert_element_type3A = arith.extui %eq3A : vector<64x512xi1> to vector<64x512xi32>
    %convert_element_type3A_28 = arith.sitofp %convert_element_type3A : vector<64x512xi32> to vector<64x512xf32>
    %dot_general3A = arith.constant dense<0.000000e+00> : vector<32x512xf32>
    %dot_general3A_29 = tpu.matmul %get3A_3, %convert_element_type3A_28, %dot_general3A {dimension_numbers = #tpu.dot_dimension_numbers<[1], [0], [0], [1], [0, 0, 1, 1], [], []>, transpose_lhs_hint = false} : vector<32x64xf32>, vector<64x512xf32>, vector<32x512xf32> -> vector<32x512xf32>
    %broadcast_in_dim3A = vector.shape_cast %dot_general3A_29 : vector<32x512xf32> to vector<32x1x512xf32>
    %broadcast_in_dim3A_30 = vector.shape_cast %broadcast_in_dim3A : vector<32x1x512xf32> to vector<32x1x512xf32>
    %broadcast_in_dim3A_31 = vector.broadcast %broadcast_in_dim3A_30 : vector<32x1x512xf32> to vector<32x8x512xf32>
    %reshape3A = vector.shape_cast %broadcast_in_dim3A_31 : vector<32x8x512xf32> to vector<256x512xf32>
    %get3A_32 = arith.constant 0 : index
    %get3A_33 = arith.constant 0 : index
    %get3A_34 = arith.constant 0 : index
    %get3A_35 = arith.constant 0 : index
    %get3A_36 = vector.load %arg3[%get3A_32, %get3A_33, %get3A_34, %get3A_35] : memref<1x3x256x512xf32, #tpu.memory_space<vmem>>, vector<1x3x256x512xf32>
    %get3A_37 = vector.shape_cast %get3A_36 : vector<1x3x256x512xf32> to vector<3x256x512xf32>
    %broadcast_in_dim3A_38 = vector.shape_cast %reshape3A : vector<256x512xf32> to vector<1x256x512xf32>
    %mul3A = vector.broadcast %broadcast_in_dim3A_38 : vector<1x256x512xf32> to vector<3x256x512xf32>
    %mul3A_39 = arith.mulf %get3A_37, %mul3A : vector<3x256x512xf32>
    %swap3A = arith.constant 0 : index
    %swap3A_40 = arith.constant 0 : index
    %swap3A_41 = arith.constant 0 : index
    %swap3A_42 = arith.constant 0 : index
    %swap3A_43 = vector.load %arg4[%swap3A, %swap3A_40, %swap3A_41, %swap3A_42] : memref<1x3x256x512xf32, #tpu.memory_space<vmem>>, vector<1x3x256x512xf32>
    %swap3A_44 = vector.shape_cast %swap3A_43 : vector<1x3x256x512xf32> to vector<3x256x512xf32>
    %swap3A_45 = vector.shape_cast %mul3A_39 : vector<3x256x512xf32> to vector<1x3x256x512xf32>
    tpu.vector_store %arg4[%swap3A, %swap3A_40, %swap3A_41, %swap3A_42], %swap3A_45 {strides = array<i32>} : memref<1x3x256x512xf32, #tpu.memory_space<vmem>>, vector<1x3x256x512xf32>,
    return
  }
  func.func @transform_0(%arg0: i32, %arg1: i32) -> (i32, i32, i32) {
    %c0_i32 = arith.constant 0 : i32
    %c0_i32_0 = arith.constant 0 : i32
    return %arg0, %arg1, %c0_i32 : i32, i32, i32
  }
  func.func @transform_1(%arg0: i32, %arg1: i32) -> (i32, i32, i32, i32) {
    %c0_i32 = arith.constant 0 : i32
    %c0_i32_0 = arith.constant 0 : i32
    %c0_i32_1 = arith.constant 0 : i32
    return %arg0, %c0_i32, %arg1, %c0_i32_0 : i32, i32, i32, i32
  }
  func.func @transform_2(%arg0: i32, %arg1: i32) -> (i32, i32, i32, i32) {
    %c0_i32 = arith.constant 0 : i32
    %c0_i32_0 = arith.constant 0 : i32
    %c0_i32_1 = arith.constant 0 : i32
    return %arg0, %c0_i32, %arg1, %c0_i32_0 : i32, i32, i32, i32
  }
}

</mosaic_0001>

<sc_bundles>
// kernel: kernel.4.cloned.1.call-start
scs
__scs_entry_jumppad:
0x0: {  	(pc) =	sbr.rel $0x88, $3  }
0x1: {  	(tag) =	ssettag $0x0;
	lr =	simm.s32 $0x1  }
0x2: {  	[smem:$0x3FA0] =	sst lr;
	_ =	strace $0xD0000000  }
0x3: {  	_ = 	snop  }
0x4: {  	_ = 	snop  }
0x5: {  	_ = 	snop  }
0x6: {  	_ = 	snop  }
0x7: {  	_ = 	snop  }
__scs_overlays_trampoline_lowered:
0x8: {  	[smem:$0x3FAF] =	sst s0  }
0x9: {  	[smem:$0x3FB0] =	sst s1  }
0xa: {  	[smem:$0x3FB1] =	sst s2  }
0xb: {  	[smem:$0x3FB2] =	sst s3  }
0xc: {  	[smem:$0x3FB3] =	sst s4  }
0xd: {  	[smem:$0x3FB4] =	sst s5  }
0xe: {  	[smem:$0x3FB5] =	sst s6  }
0xf: {  	[smem:$0x3FB6] =	sst s7  }
0x10: {  	[smem:$0x3FB7] =	sst s8  }
0x11: {  	[smem:$0x3FB8] =	sst s9;
	s0 =	simm.s32 @!p0 $0x0  }
0x12: {  	s1 =	sld [smem:$0x3F9E];
	s0 =	simm.s32 @p0 $0x1  }
0x13: {  	[smem:$0x3FB9] =	sst s0;
	s0 =	simm.s32 @!p1 $0x0  }
0x14: {  	s2 =	sld [smem:$0x3F9D];
	s0 =	simm.s32 @p1 $0x1  }
0x15: {  	[smem:$0x3FBA] =	sst s0;
	s0 =	simm.s32 @!p2 $0x0  }
0x16: {  	s3 =	sld [smem:$0x3FDB];
	s0 =	simm.s32 @p2 $0x1  }
0x17: {  	s4 =	simm.s32 $0x1BF5;
	[smem:$0x3FBC] =	sst s0  }
0x18: {  	s0 =	sld [smem:$0x3F9F];
	_ =	swait.ge [sflag:s4], $0x0  }
0x19: {  	s7 =	sld [smem:$0x3FA0]  }
0x1a: {  	s8 =	sadd.s32 $0xFFFFE003, lr  }
0x1b: {  	s9 =	sadd.s32 $0xFFFFFEF7, lr;
	s5 =	simm.s32 $0xFFFFFFFF;
	p2 =	slt.u32 s8, $0xFFFFF086  }
0x1c: {  	p1 =	slt.u32 s9, $0xF7A;
	s5 =	simm.s32 @!p2 $0x0  }
0x1d: {  	s5 =	simm.s32 @p1 $0x1;
	p0 =	seq.s32 s7, s2  }
0x1e: {  	s7 =	smul.u32 @!p0 $0xF7A, s2;
	p2 =	seq.s32 @!p0 s5, $0x0  }
0x1f: {  	s9 =	smul.u32 $0xF7A, s1;
	s8 =	simm.s32 @!p0 $0x1BF5;
	p2 =	por !p2, p0  }
0x20: {  	[sflag:s8] =	ssyncset.s32 @!p0 $0xFFFFF086;
	s6 =	sadd.s32 @!p0 s3, s7;
	s7 =	simm.s32 @!p0 $0x108  }
0x21: {  	s3 =	sadd.s32 s3, s9;
	s6 =	sadd.s32 @!p0 $0x88, s6;
	s7 =	simm.s32 @p2 $0x1082  }
0x22: {  	[simem:s7], [sflag:s8] =	dma.local @!p0 [hbm:s6], $0xF7A  }
0x23: {  	s9 =	sor.u32 $0xD0000000, s2;
	s6 =	simm.s32 $0x108;
	_ =	swait.ge @!p0 [sflag:s8], $0x0  }
0x24: {  	s3 =	sadd.s32 $0x88, s3;
	s6 =	simm.s32 @!p1 $0x1082;
	[sflag:s4] =	ssyncset.s32 $0xFFFFF086  }
0x25: {  	[simem:s6], [sflag:s4] =	dma.local [hbm:s3], $0xF7A  }
0x26: {  	[smem:$0x3FA0] =	sst s1;
	(tag) =	ssettag s2;
	_ =	strace s9  }
0x27: {  	s1 =	sld [smem:$0x3FB0]  }
0x28: {  	s2 =	sld [smem:$0x3FB1]  }
0x29: {  	s4 =	sld [smem:$0x3FB3]  }
0x2a: {  	p0 =	seq.s32 s5, $0x0;
	s5 =	sld [smem:$0x3FB4]  }
0x2b: {  	s6 =	sld [smem:$0x3FB5]  }
0x2c: {  	s7 =	sld [smem:$0x3FB6]  }
0x2d: {  	s3 =	simm.s32 $0x108;
	s8 =	sld [smem:$0x3FB7]  }
0x2e: {  	s3 =	simm.s32 @!p0 $0x1082;
	s9 =	sld [smem:$0x3FB8]  }
0x2f: {  	lr =	sadd.s32 s0, s3;
	s0 =	sld [smem:$0x3FAF]  }
0x30: {  	s3 =	sld [smem:$0x3FB2]  }
0x31: {  	[smem:$0x3FBB] =	sst s10  }
0x32: {  	s10 =	sld [smem:$0x3FB9];
	_ =	sdelay $0x3  }
0x33: {  	p0 =	seq.s32 s10, $0x1;
	s10 =	sld [smem:$0x3FBB];
	_ =	sdelay $0x3  }
0x34: {  	[smem:$0x3FBB] =	sst s10  }
0x35: {  	s10 =	sld [smem:$0x3FBA];
	_ =	sdelay $0x3  }
0x36: {  	p1 =	seq.s32 s10, $0x1;
	s10 =	sld [smem:$0x3FBB];
	_ =	sdelay $0x3  }
0x37: {  	[smem:$0x3FBB] =	sst s10  }
0x38: {  	s10 =	sld [smem:$0x3FBC]  }
0x39: {  	_ = 	snop;
	(pc) =	sbr.ind lr, $3  }
0x3a: {  	_ = 	snop  }
0x3b: {  	_ = 	snop  }
0x3c: {  	p2 =	seq.s32 s10, $0x1;
	s10 =	sld [smem:$0x3FBB]  }
0x3d: {  	_ =	shalt  }
0x3e: {  	_ =	shalt  }
0x3f: {  	_ =	shalt  }
0x40: {  	_ =	shalt  }
0x41: {  	_ =	shalt  }
0x42: {  	_ =	shalt  }
0x43: {  	_ =	shalt  }
0x44: {  	_ =	shalt  }
0x45: {  	_ =	shalt  }
0x46: {  	_ =	shalt  }
0x47: {  	_ =	shalt  }
0x48: {  	_ =	shalt  }
0x49: {  	_ =	shalt  }
0x4a: {  	_ =	shalt  }
0x4b: {  	_ =	shalt  }
0x4c: {  	_ =	shalt  }
0x4d: {  	_ =	shalt  }
0x4e: {  	_ =	shalt  }
0x4f: {  	_ =	shalt  }
0x50: {  	_ =	shalt  }
0x51: {  	_ =	shalt  }
0x52: {  	_ =	shalt  }
0x53: {  	_ =	shalt  }
0x54: {  	_ =	shalt  }
0x55: {  	_ =	shalt  }
0x56: {  	_ =	shalt  }
0x57: {  	_ =	shalt  }
0x58: {  	_ =	shalt  }
0x59: {  	_ =	shalt  }
0x5a: {  	_ =	shalt  }
0x5b: {  	_ =	shalt  }
0x5c: {  	_ =	shalt  }
0x5d: {  	_ =	shalt  }
0x5e: {  	_ =	shalt  }
0x5f: {  	_ =	shalt  }
0x60: {  	_ =	shalt  }
0x61: {  	_ =	shalt  }
0x62: {  	_ =	shalt  }
0x63: {  	_ =	shalt  }
0x64: {  	_ =	shalt  }
0x65: {  	_ =	shalt  }
0x66: {  	_ =	shalt  }
0x67: {  	_ =	shalt  }
0x68: {  	_ =	shalt  }
0x69: {  	_ =	shalt  }
0x6a: {  	_ =	shalt  }
0x6b: {  	_ =	shalt  }
0x6c: {  	_ =	shalt  }
0x6d: {  	_ =	shalt  }
0x6e: {  	_ =	shalt  }
0x6f: {  	_ =	shalt  }
0x70: {  	_ =	shalt  }
0x71: {  	_ =	shalt  }
0x72: {  	_ =	shalt  }
0x73: {  	_ =	shalt  }
0x74: {  	_ =	shalt  }
0x75: {  	_ =	shalt  }
0x76: {  	_ =	shalt  }
0x77: {  	_ =	shalt  }
0x78: {  	_ =	shalt  }
0x79: {  	_ =	shalt  }
0x7a: {  	_ =	shalt  }
0x7b: {  	_ =	shalt  }
0x7c: {  	_ =	shalt  }
0x7d: {  	_ =	shalt  }
0x7e: {  	_ =	shalt  }
0x7f: {  	_ =	shalt  }
0x80: {  	_ =	shalt  }
0x81: {  	_ =	shalt  }
0x82: {  	_ =	shalt  }
0x83: {  	_ =	shalt  }
0x84: {  	_ =	shalt  }
0x85: {  	_ =	shalt  }
0x86: {  	_ =	shalt  }
0x87: {  	_ =	shalt  }
.Lfunc_end0:
.L_simem_size_0:
called_computation_lowered:
.L_overlay_start_0:
0x88: {  	s2 =	sld [smem:$0x3FD9]  }
0x89: {  	s3 =	sld [smem:$0x3FFE];
	_ =	sdelay $0x1  }
0x8a: {  	s1 =	srdreg.scid  }
0x8b: {  	s0 =	sand.u32 $0x1, s1  }
0x8c: {  	s17 =	sshll.u32 s0, $0xA;
	s2 =	sadd.s32 s3, s2  }
0x8d: {  	s2 =	sadd.s32 s2, s17  }
0x8e: {  	[smem:$0x3FC7] =	sst s2  }
0x8f: {  	_ = 	snop  }
0x90: {  	s2 =	sld [smem:$0x3FD0];
	(tm) =	ssettm $0x1  }
0x91: {  	s18 =	sld [smem:$0x3FFB];
	_ =	sdelay $0x3  }
0x92: {  	_ =	strace s18  }
0x93: {  	s3 =	sld [smem:$0x3FFC];
	_ =	sdelay $0x3  }
0x94: {  	_ =	strace s3  }
0x95: {  	s3 =	sld [smem:$0x3FFD];
	_ =	sdelay $0x3  }
0x96: {  	_ =	strace s3  }
0x97: {  	_ =	strace $0x8FFFFFFF  }
0x98: {  	s19 =	sld [smem:$0x3FDB];
	_ =	sdelay $0x1  }
0x99: {  	s4 =	simm.s32 $_scs_section_size  }
0x9a: {  	s5 =	simm.s32 $_size__tile_overlayer_lowered;
	s6 =	simm.s32 $_tile_overlayer_lowered  }
0x9b: {  	s22 =	simm.s32 $0x1BFF;
	s21 =	sshll.u32 s6, $0x1;
	s3 =	sadd.s32 s4, s19  }
0x9c: {  	s7 =	simm.s32 $0x0;
	s20 =	sshll.u32 s5, $0x1;
	s5 =	sadd.s32 s21, s3  }
0x9d: {  	[timem:s7], [sflag:s22] =	dma.local [hbm:s5], s20  }
0x9e: {  	_ =	swait.ge [sflag:s22], s20  }
0x9f: {  	s4 =	ssub.s32 $0x0, s20;
	[sflag:s22] =	ssyncset.done $0x0  }
0xa0: {  	[sflag:s22] =	ssyncadd.s32 s4;
	_ =	sdelay $0x1  }
0xa1: {  	s23 =	simm.s32 $0x1B8B  }
0xa2: {  	_ =	swait.ge [sflag:s23], $0x1  }
0xa3: {  	[sflag:s23] =	ssyncset.done $0x0  }
0xa4: {  	s25 =	simm.s32 $0x1B8E;
	s24 =	sld [smem:$0x3FFE];
	[sflag:s23] =	ssyncadd.s32 $0xFFFFFFFF  }
0xa5: {  	s26 =	simm.s32 $execute0_lowered;
	[smem:$0x3FD2] =	sst s25  }
0xa6: {  	s5 =	sshll.u32 s26, $0x1;
	_ =	strace $0x80000046;
	[dreg:$0x1] =	wrdreg $0xFFFFFFFF  }
0xa7: {  	s28 =	simm.s32 $_size_execute0_lowered;
	s3 =	sadd.s32 s3, s5;
	[dreg:$0x0] =	wrdreg $0x0  }
0xa8: {  	s5 =	sshll.u32 s28, $0x1;
	[dreg:$0x2] =	wrdreg s3  }
0xa9: {  	[dreg:$0x3] =	wrdreg s5  }
0xaa: {  	[dreg:$0x4] =	wrdreg $0xC0  }
0xab: {  	_ =	task [dreg:s7], $0x5FFFF  }
0xac: {  	[dreg:$0x1] =	wrdreg $0xFFFFFFFF  }
0xad: {  	[dreg:$0x0] =	wrdreg $0x60  }
0xae: {  	[dreg:$0x2] =	wrdreg s24  }
0xaf: {  	[dreg:$0x3] =	wrdreg s2  }
0xb0: {  	[dreg:$0x4] =	wrdreg $0x9  }
0xb1: {  	_ =	task.clear_ibuf [dreg:s7], $0x5FFFF;
	_ =	strace $0x90000046  }
0xb2: {  	s29 =	simm.s32 $0x9;
	_ =	strace $0x80000048  }
0xb3: {  	_ =	swait.ge [sflag:s29], $0x1  }
0xb4: {  	[sflag:s29] =	ssyncadd.s32 $0xFFFFFFFF  }
0xb5: {  	_ =	strace $0x90000048  }
0xb6: {  	_ =	sfence  }
0xb7: {  	s30 =	sld [smem:$0x0];
	_ =	sdelay $0x2  }
0xb8: {  	s31 =	sshll.u32 s1, $0xD;
	s1 =	sshrl.u32 s1, $0x2  }
0xb9: {  	s3 =	sand.u32 $0x4000, s31;
	s1 =	sadd.s32 s1, s30  }
0xba: {  	s0 =	sor.u32 s3, s0;
	s1 =	sshll.u32 s1, $0x11  }
0xbb: {  	s0 =	sor.u32 s1, s0  }
0xbc: {  	s0 =	sadd.s32 $0x8F2B, s0  }
0xbd: {  	[sflag:s0] =	ssyncadd.remote.s32 $0x1  }
0xbe: {  	_ =	sfence.sel $0xFFFF  }
0xbf: {  	[dreg:$0x0] =	wrdreg $0xFFFFFFFF;
	(pc) =	sbr.abs _section_cstart, $3  }
0xc0: {  	[dreg:$0x1] =	wrdreg $0xFFFFFFFF  }
0xc1: {  	_ =	task.clear_ibuf [dreg:s7], $0x2FFFF;
	_ =	strace $0x9FFFFFFF  }
0xc2: {  	(tm) =	ssettm $0x7FFFFFFF  }
0xc3: {  	_ =	shalt  }
tec
execute0_lowered:
.L_overlay_start_1:
0x0: {  	(tag) =	ssettag $0x1  }
0x1: {  	s3 =	rddreg [dreg:$0x0];
	s1 =	srdreg.scid  }
0x2: {  	s0 =	stileid.u32;
	s4 =	rddreg [dreg:$0x1];
	s2 =	simm.s32 $0x0  }
0x3: {  	s5 =	sand.u32 $0x1, s1;
	s6 =	sshll.u32 s0, $0x1;
	s1 =	rddreg [dreg:$0x2]  }
0x4: {  	[smem:$0x7FF] =	sst s2;
	s6 =	sor.u32 s5, s6;
	s5 =	ssub.s32 $0x2, s5  }
0x5: {  	s7 =	smul.u32 $0x180, s6;
	s8 =	sshrl.u32 s5, $0x1;
	s6 =	sshll.u32 s6, $0x9  }
0x6: {  	_ =	strace $0x80000047;
	s5 =	ssub.s32 s5, s8;
	s4 =	sadd.s32 s4, s6  }
0x7: {  	s6 =	simm.s32 $0x1;
	s8 =	simm.s32 $0x0;
	s3 =	sadd.s32 s7, s3  }
0x8: {  	v0 =	vimm.f32 $1.000000000e+00;
	v1 =	vimm.f32 $0.0e+00;
	s5 =	smax.u32 s5, $0x1;
	s7 =	simm.s32 $0xC00;
	s3 =	sadd.s32 $0x400, s3  }
.LBB2_1:
0x9: {  	[tilespmem:s2], [sflag:$0x1] =	stream.linear.gather [hbm4b:s3+s2], $0xC00, $0x38;
	[tilespmem:$0x1C00] =	vst v63  }
0xa: {  	_ =	swait.ge [sflag:s6], $0xC00  }
0xb: {  	[sflag:s6] =	ssyncset.done $0x0  }
0xc: {  	s9 =	simm.s32 $0x0;
	[sflag:s6] =	ssyncadd.s32 $0xFFFFF400  }
.LBB2_2:
0xd: {  	p0 =	sne.s32 s9, $0x3FC0  }
.Ltmp0:
0xe: {  	_ = 	snop;
	(pc) =	sbr.rel @p0 .LBB2_2-.Ltmp0, $3  }
0xf: {  	_ =	sdelay $0x1  }
0x10: {  	s10 =	sshra.s32 s9, $0x2  }
0x11: {  	s9 =	sadd.s32 $0x40, s9;
	[tilespmem:s10+$0xC00] =	vst v0  }
0x12: {  	s10 =	simm.s32 $0x0;
	s9 =	simm.s32 $0x40  }
.LBB2_4:
0x13: {  	p0 =	sne.s32 s9, $0x2FC0;
	v2 =	vld [tilespmem:s10+$0x0];
	_ =	sdelay $0x3  }
.Ltmp1:
0x14: {  	(pc) =	sbr.rel @p0 .LBB2_4-.Ltmp1, $2  }
0x15: {  	_ =	sdelay $0x2  }
0x16: {  	s10 =	sshra.s32 s9, $0x2;
	s9 =	sadd.s32 $0x40, s9;
	[tilespmem:v2+s7+$0x0] =	vst.idx.msk $0xffff, v1  }
0x17: {  	v2 =	vld [tilespmem:s10+$0x0];
	_ =	sdelay $0x5  }
0x18: {  	s8 =	sadd.s32 $0x1, s8  }
0x19: {  	p0 =	sne.s32 s8, s5  }
.Ltmp2:
0x1a: {  	[tilespmem:v2+s7+$0x0] =	vst.idx.msk $0xffff, v1;
	(pc) =	sbr.rel @p0 .LBB2_1-.Ltmp2, $4  }
0x1b: {  	[hbm4b:s4+s2] =	stream.linear.scatter [tilespmem:s7], [sflag:$0x1], $0x1000, $0x38;
	[tilespmem:$0x1C00] =	vst v63  }
0x1c: {  	_ =	swait.ge [sflag:s6], $0x1000  }
0x1d: {  	[sflag:s6] =	ssyncset.done $0x0  }
0x1e: {  	[sflag:s6] =	ssyncadd.s32 $0xFFFFF000  }
0x1f: {  	_ =	sfence.sel $0x180000  }
0x20: {  	[bflag:$0x0] =	sbarrier.arrive $0xFFFF  }
0x21: {  	p0 =	sne.s32 s0, $0x0;
	_ =	strace $0x90000047  }
0x22: {  	s0 =	sadd.s32 @!p0 $0x100000, s1;
	[bflag:$0x2] =	sbarrier.arrive $0xFFFF  }
0x23: {  	[sflag:s0] =	ssyncadd.tile.s32 @!p0 $0x1;
	_ =	shalt  }
.Lfunc_end2:
_tile_overlayer_lowered:
.L_overlay_start_2:
0x24: {  	(tag) =	ssettag $0x2  }
0x25: {  	s0 =	rddreg [dreg:$0x0];
	s2 =	stileid.u32  }
0x26: {  	s1 =	rddreg [dreg:$0x1];
	p0 =	sne.s32 s2, $0x0  }
0x27: {  	s3 =	rddreg [dreg:$0x2];
	[bflag:$0x3] =	sbarrier.arrive $0xFFFF;
	s2 =	simm.s32 @!p0 $0x1C01  }
0x28: {  	[timem:s3], [sflag:s2] =	dma.local @!p0 [hbm:s0], s1  }
0x29: {  	s0 =	simm.s32 @!p0 $0x1  }
0x2a: {  	_ =	swait.ge @!p0 [sflag:s0], s1  }
0x2b: {  	s1 =	ssub.s32 @!p0 $0x0, s1;
	[sflag:s0] =	ssyncset.done @!p0 $0x0  }
0x2c: {  	[sflag:s0] =	ssyncadd.s32 @!p0 s1  }
0x2d: {  	[bflag:$0x3] =	sbarrier.arrive $0xFFFF  }
0x2e: {  	_ =	shalt  }

</sc_bundles>
